<compile_context>
chip_gen: v7x
topology: tpu7x:2x2x1
jax: 0.10.2.dev20260603
libtpu: 0.0.44.dev20260713+nightly
codegen_flags: <defaults>
</compile_context>

<pallas_src>
import functools

import jax
import jax.numpy as jnp
from jax import lax
from jax.experimental import pallas as pl
from jax.experimental.pallas import tpu as pltpu
from jax.experimental.pallas import tpu_sc as plsc

EMB = 64
POS = 588
DIN = 16

NC = 2
NS = 16
NW = NC * NS
PAD_POS = 768
ROWS_PER_W = PAD_POS // NW
PAD_EMB = 128

TB = 16


def _sc_gather(emb_table, idx_pad):
    mesh = plsc.VectorSubcoreMesh(core_axis_name="c", subcore_axis_name="s")

    @functools.partial(
        pl.kernel,
        mesh=mesh,
        out_type=jax.ShapeDtypeStruct((PAD_POS, PAD_EMB), jnp.float32),
        scratch_types=[
            pltpu.VMEM((ROWS_PER_W,), jnp.int32),
            pltpu.VMEM((ROWS_PER_W, PAD_EMB), jnp.float32),
            pltpu.SemaphoreType.DMA,
        ],
    )
    def gather_kernel(table_hbm, idx_hbm, out_hbm, idx_v, rows_v, sem):
        wid = lax.axis_index("s") * NC + lax.axis_index("c")
        base = wid * ROWS_PER_W
        pltpu.sync_copy(idx_hbm.at[pl.ds(base, ROWS_PER_W)], idx_v)
        pltpu.async_copy(table_hbm.at[idx_v], rows_v, sem).wait()
        pltpu.sync_copy(rows_v, out_hbm.at[pl.ds(base, ROWS_PER_W)])

    return gather_kernel(emb_table, idx_pad)


def _tc_body(x_ref, w_ref, y_ref, b_ref, o_ref):
    w = w_ref[...]
    yb = y_ref[:POS, :EMB] + b_ref[...]
    for i in range(TB):
        o_ref[i] = jnp.dot(x_ref[i], w, preferred_element_type=jnp.float32) + yb


def kernel(x, emb_table, W, b, channel_base):
    B = x.shape[0]
    idx_pad = jnp.zeros((PAD_POS,), jnp.int32).at[:POS].set(
        channel_base.astype(jnp.int32))
    table_pad = jnp.pad(emb_table, ((0, 0), (0, PAD_EMB - EMB)))
    y_pad = _sc_gather(table_pad, idx_pad)
    out = pl.pallas_call(
        _tc_body,
        grid=(B // TB,),
        in_specs=[
            pl.BlockSpec((TB, POS, DIN), lambda i: (i, 0, 0)),
            pl.BlockSpec((DIN, EMB), lambda i: (0, 0)),
            pl.BlockSpec((PAD_POS, PAD_EMB), lambda i: (0, 0)),
            pl.BlockSpec((1, EMB), lambda i: (0, 0)),
        ],
        out_specs=pl.BlockSpec((TB, POS, EMB), lambda i: (i, 0, 0)),
        out_shape=jax.ShapeDtypeStruct((B, POS, EMB), jnp.float32),
        compiler_params=pltpu.CompilerParams(
            dimension_semantics=("arbitrary",),
        ),
    )(x, W, y_pad, b.reshape(1, EMB))
    return out

# --- scband reference (transcript-rebuilt; emitter-appended) ---
"""Pipeline reference for scband-channel-embedding-1786706395304 (READ-ONLY COPY).

The authoritative reference and input builder live on the scoring server;
editing this copy changes nothing except your own understanding.
"""

import jax, jax.numpy as jnp
import numpy as np

EMB = 64
CH = 7
LB = 64
FC = 16
FPC = LB + FC + 4  # 84 features per channel
POS = CH * FPC     # 588 positions
DIN = 16
B = 1024


def _channel_base():
    base = np.zeros(POS, dtype=np.int64)
    for i in range(CH):
        base[i * FPC:] = i + 1
    return jnp.asarray(base)


def setup_inputs(seed: int = 0) -> dict:
    key = jax.random.key(seed)
    k1, k2, k3 = jax.random.split(key, 3)
    x = jax.random.normal(k1, (B, POS, DIN), dtype=jnp.float32)
    emb_table = jax.random.normal(k2, (CH + 1, EMB), dtype=jnp.float32) * 0.05
    W = jax.random.normal(k3, (DIN, EMB), dtype=jnp.float32) * (1.0 / np.sqrt(DIN))
    b = jnp.zeros((EMB,), dtype=jnp.float32)
    channel_base = _channel_base()
    return {"x": x, "emb_table": emb_table, "W": W, "b": b, "channel_base": channel_base}


def reference(x, emb_table, W, b, channel_base):
    # y = Embedding(aChannelBase): gather rows of the channel embedding table
    y = jnp.take(emb_table, channel_base, axis=0)  # [POS, EMB]
    # y = y + Dense(x): per-position linear projection of x, broadcast add
    dense = jnp.einsum('bpd,de->bpe', x, W) + b    # [B, POS, EMB]
    return y + dense

if __name__ == "__main__":
    import jax
    _d = setup_inputs()
    print(jax.jit(kernel)(*tuple(_d.values())))

</pallas_src>

<mosaic_0001>
#map = affine_map<(d0, d1) -> (0, 0)>
#map1 = affine_map<(d0, d1) -> (0)>
module attributes {stable_mosaic.version = 14 : i64} {
  func.func @gather_kernel(%arg0: i32, %arg1: i32, %arg2: memref<8x128xf32, #tpu.memory_space<hbm>>, %arg3: memref<768xi32, #tpu.memory_space<hbm>>, %arg4: memref<768x128xf32, #tpu.memory_space<hbm>>, %arg5: memref<24xi32, #tpu.memory_space<vmem>>, %arg6: memref<24x128xf32, #tpu.memory_space<vmem>>, %arg7: memref<!tpu.dma_semaphore, #tpu.memory_space<semaphore_mem>>) attributes {dimension_semantics = [#tpu.dimension_semantics<core_parallel>, #tpu.dimension_semantics<subcore_parallel>], iteration_bounds = array<i64: 2, 16>, scalar_prefetch = 0 : i64, scratch_operands = 3 : i64, tpu.core_type = #tpu.core_type<sc_vector_subcore>, window_params = [{transform_indices = #map}, {transform_indices = #map1}, {transform_indices = #map}]} {
    %mul3A = arith.constant 2 : i32
    %mul3A_0 = arith.muli %arg1, %mul3A : i32
    %add3A = arith.addi %mul3A_0, %arg0 : i32
    %mul3A_1 = arith.constant 24 : i32
    %mul3A_2 = arith.muli %add3A, %mul3A_1 : i32
    "tpu.region"() ({
      %run_scoped3A = tpu.sem_alloc : memref<!tpu.dma_semaphore, #tpu.memory_space<semaphore_mem>>
      %dma_start3A_7 = tpu.memref_slice %arg3[%mul3A_2] : memref<768xi32, #tpu.memory_space<hbm>> -> memref<24xi32, #tpu.memory_space<hbm>>
      %dma_start3A_8 = tpu.memref_slice %arg3[%mul3A_2] : memref<768xi32, #tpu.memory_space<hbm>> -> memref<24xi32, #tpu.memory_space<hbm>>
      tpu.enqueue_dma source(%dma_start3A_8 : memref<24xi32, #tpu.memory_space<hbm>>) target(%arg5 : memref<24xi32, #tpu.memory_space<vmem>>) target_semaphore(%run_scoped3A : memref<!tpu.dma_semaphore, #tpu.memory_space<semaphore_mem>>)
      %dma_wait3A_9 = tpu.memref_slice %arg3[%mul3A_2] : memref<768xi32, #tpu.memory_space<hbm>> -> memref<24xi32, #tpu.memory_space<hbm>>
      %dma_wait3A_10 = tpu.memref_slice %arg3[%mul3A_2] : memref<768xi32, #tpu.memory_space<hbm>> -> memref<24xi32, #tpu.memory_space<hbm>>
      tpu.wait_dma2 semaphore(%run_scoped3A : memref<!tpu.dma_semaphore, #tpu.memory_space<semaphore_mem>>) src(%dma_wait3A_10 : memref<24xi32, #tpu.memory_space<hbm>>) dst(%arg5 : memref<24xi32, #tpu.memory_space<vmem>>)
      tpu.yield
    }) : () -> ()
    %dma_start3A = arith.constant 0 : i32
    %dma_start3A_3 = arith.constant 0 : i32
    %dma_start3A_4 = tpu.memref_slice %arg2[%dma_start3A, %dma_start3A_3] : memref<8x128xf32, #tpu.memory_space<hbm>> -> memref<8x128xf32, #tpu.memory_space<hbm>>
    tpu.enqueue_indirect_dma source(%dma_start3A_4 : memref<8x128xf32, #tpu.memory_space<hbm>>) target(%arg6 : memref<24x128xf32, #tpu.memory_space<vmem>>) offsets(%arg5 : memref<24xi32, #tpu.memory_space<vmem>>) semaphore(%arg7 : memref<!tpu.dma_semaphore, #tpu.memory_space<semaphore_mem>>)
    %dma_wait3A = arith.constant 0 : i32
    %dma_wait3A_5 = arith.constant 0 : i32
    %dma_wait3A_6 = tpu.memref_slice %arg2[%dma_wait3A, %dma_wait3A_5] : memref<8x128xf32, #tpu.memory_space<hbm>> -> memref<8x128xf32, #tpu.memory_space<hbm>>
    tpu.wait_indirect_dma semaphore(%arg7 : memref<!tpu.dma_semaphore, #tpu.memory_space<semaphore_mem>>) src(%dma_wait3A_6 : memref<8x128xf32, #tpu.memory_space<hbm>>) dst(%arg6 : memref<24x128xf32, #tpu.memory_space<vmem>>)
    "tpu.region"() ({
      %run_scoped3A = tpu.sem_alloc : memref<!tpu.dma_semaphore, #tpu.memory_space<semaphore_mem>>
      %dma_start3A_7 = arith.constant 0 : i32
      %dma_start3A_8 = tpu.memref_slice %arg4[%mul3A_2, %dma_start3A_7] : memref<768x128xf32, #tpu.memory_space<hbm>> -> memref<24x128xf32, #tpu.memory_space<hbm>>
      %dma_start3A_9 = arith.constant 0 : i32
      %dma_start3A_10 = tpu.memref_slice %arg4[%mul3A_2, %dma_start3A_9] : memref<768x128xf32, #tpu.memory_space<hbm>> -> memref<24x128xf32, #tpu.memory_space<hbm>>
      tpu.enqueue_dma source(%arg6 : memref<24x128xf32, #tpu.memory_space<vmem>>) target(%dma_start3A_10 : memref<24x128xf32, #tpu.memory_space<hbm>>) target_semaphore(%run_scoped3A : memref<!tpu.dma_semaphore, #tpu.memory_space<semaphore_mem>>)
      %dma_wait3A_11 = arith.constant 0 : i32
      %dma_wait3A_12 = tpu.memref_slice %arg4[%mul3A_2, %dma_wait3A_11] : memref<768x128xf32, #tpu.memory_space<hbm>> -> memref<24x128xf32, #tpu.memory_space<hbm>>
      %dma_wait3A_13 = arith.constant 0 : i32
      %dma_wait3A_14 = tpu.memref_slice %arg4[%mul3A_2, %dma_wait3A_13] : memref<768x128xf32, #tpu.memory_space<hbm>> -> memref<24x128xf32, #tpu.memory_space<hbm>>
      tpu.wait_dma2 semaphore(%run_scoped3A : memref<!tpu.dma_semaphore, #tpu.memory_space<semaphore_mem>>) src(%arg6 : memref<24x128xf32, #tpu.memory_space<vmem>>) dst(%dma_wait3A_14 : memref<24x128xf32, #tpu.memory_space<hbm>>)
      tpu.yield
    }) : () -> ()
    return
  }
}

module attributes {stable_mosaic.version = 14 : i64} {
  func.func @_tc_body(%arg0: i32, %arg1: memref<16x588x16xf32, #tpu.memory_space<vmem>>, %arg2: memref<16x64xf32, #tpu.memory_space<vmem>>, %arg3: memref<768x128xf32, #tpu.memory_space<vmem>>, %arg4: memref<1x64xf32, #tpu.memory_space<vmem>>, %arg5: memref<16x588x64xf32, #tpu.memory_space<vmem>>) attributes {dimension_semantics = [#tpu.dimension_semantics<arbitrary>], iteration_bounds = array<i64: 64>, scalar_prefetch = 0 : i64, scratch_operands = 0 : i64, tpu.core_type = #tpu.core_type<tc>, window_params = [{transform_indices = @transform_0, window_bounds = array<i64: 16, 588, 16>}, {pipeline_mode = #tpu.pipeline_mode<synchronous>, transform_indices = @transform_1, window_bounds = array<i64: 16, 64>}, {pipeline_mode = #tpu.pipeline_mode<synchronous>, transform_indices = @transform_2, window_bounds = array<i64: 768, 128>}, {pipeline_mode = #tpu.pipeline_mode<synchronous>, transform_indices = @transform_3, window_bounds = array<i64: 1, 64>}, {transform_indices = @transform_4, window_bounds = array<i64: 16, 588, 64>}]} {
    %get3A = arith.constant 0 : index
    %get3A_0 = arith.constant 0 : index
    %get3A_1 = vector.load %arg2[%get3A, %get3A_0] : memref<16x64xf32, #tpu.memory_space<vmem>>, vector<16x64xf32>
    %get3A_2 = arith.constant 0 : index
    %get3A_3 = arith.constant 0 : index
    %get3A_4 = vector.load %arg3[%get3A_2, %get3A_3] : memref<768x128xf32, #tpu.memory_space<vmem>>, vector<588x64xf32>
    %get3A_5 = arith.constant 0 : index
    %get3A_6 = arith.constant 0 : index
    %get3A_7 = vector.load %arg4[%get3A_5, %get3A_6] : memref<1x64xf32, #tpu.memory_space<vmem>>, vector<1x64xf32>
    %add3A = vector.broadcast %get3A_7 : vector<1x64xf32> to vector<588x64xf32>
    %add3A_8 = arith.addf %get3A_4, %add3A : vector<588x64xf32>
    %get3A_9 = arith.constant 0 : index
    %get3A_10 = arith.constant 0 : index
    %get3A_11 = arith.constant 0 : index
    %get3A_12 = vector.load %arg1[%get3A_9, %get3A_10, %get3A_11] : memref<16x588x16xf32, #tpu.memory_space<vmem>>, vector<1x588x16xf32>
    %get3A_13 = vector.shape_cast %get3A_12 : vector<1x588x16xf32> to vector<588x16xf32>
    %dot_general3A = arith.constant dense<0.000000e+00> : vector<588x64xf32>
    %dot_general3A_14 = tpu.matmul %get3A_13, %get3A_1, %dot_general3A {dimension_numbers = #tpu.dot_dimension_numbers<[1], [0], [0], [1], [0, 0, 1, 1], [], []>, transpose_lhs_hint = false} : vector<588x16xf32>, vector<16x64xf32>, vector<588x64xf32> -> vector<588x64xf32>
    %add3A_15 = arith.addf %dot_general3A_14, %add3A_8 : vector<588x64xf32>
    %swap3A = arith.constant 0 : index
    %swap3A_16 = arith.constant 0 : index
    %swap3A_17 = arith.constant 0 : index
    %swap3A_18 = vector.load %arg5[%swap3A, %swap3A_16, %swap3A_17] : memref<16x588x64xf32, #tpu.memory_space<vmem>>, vector<1x588x64xf32>
    %swap3A_19 = vector.shape_cast %swap3A_18 : vector<1x588x64xf32> to vector<588x64xf32>
    %swap3A_20 = vector.shape_cast %add3A_15 : vector<588x64xf32> to vector<1x588x64xf32>
    tpu.vector_store %arg5[%swap3A, %swap3A_16, %swap3A_17], %swap3A_20 {strides = array<i32>} : memref<16x588x64xf32, #tpu.memory_space<vmem>>, vector<1x588x64xf32>,
    %get3A_21 = arith.constant 1 : index
    %get3A_22 = arith.constant 0 : index
    %get3A_23 = arith.constant 0 : index
    %get3A_24 = vector.load %arg1[%get3A_21, %get3A_22, %get3A_23] : memref<16x588x16xf32, #tpu.memory_space<vmem>>, vector<1x588x16xf32>
    %get3A_25 = vector.shape_cast %get3A_24 : vector<1x588x16xf32> to vector<588x16xf32>
    %dot_general3A_26 = arith.constant dense<0.000000e+00> : vector<588x64xf32>
    %dot_general3A_27 = tpu.matmul %get3A_25, %get3A_1, %dot_general3A_26 {dimension_numbers = #tpu.dot_dimension_numbers<[1], [0], [0], [1], [0, 0, 1, 1], [], []>, transpose_lhs_hint = false} : vector<588x16xf32>, vector<16x64xf32>, vector<588x64xf32> -> vector<588x64xf32>
    %add3A_28 = arith.addf %dot_general3A_27, %add3A_8 : vector<588x64xf32>
    %swap3A_29 = arith.constant 1 : index
    %swap3A_30 = arith.constant 0 : index
    %swap3A_31 = arith.constant 0 : index
    %swap3A_32 = vector.load %arg5[%swap3A_29, %swap3A_30, %swap3A_31] : memref<16x588x64xf32, #tpu.memory_space<vmem>>, vector<1x588x64xf32>
    %swap3A_33 = vector.shape_cast %swap3A_32 : vector<1x588x64xf32> to vector<588x64xf32>
    %swap3A_34 = vector.shape_cast %add3A_28 : vector<588x64xf32> to vector<1x588x64xf32>
    tpu.vector_store %arg5[%swap3A_29, %swap3A_30, %swap3A_31], %swap3A_34 {strides = array<i32>} : memref<16x588x64xf32, #tpu.memory_space<vmem>>, vector<1x588x64xf32>,
    %get3A_35 = arith.constant 2 : index
    %get3A_36 = arith.constant 0 : index
    %get3A_37 = arith.constant 0 : index
    %get3A_38 = vector.load %arg1[%get3A_35, %get3A_36, %get3A_37] : memref<16x588x16xf32, #tpu.memory_space<vmem>>, vector<1x588x16xf32>
    %get3A_39 = vector.shape_cast %get3A_38 : vector<1x588x16xf32> to vector<588x16xf32>
    %dot_general3A_40 = arith.constant dense<0.000000e+00> : vector<588x64xf32>
    %dot_general3A_41 = tpu.matmul %get3A_39, %get3A_1, %dot_general3A_40 {dimension_numbers = #tpu.dot_dimension_numbers<[1], [0], [0], [1], [0, 0, 1, 1], [], []>, transpose_lhs_hint = false} : vector<588x16xf32>, vector<16x64xf32>, vector<588x64xf32> -> vector<588x64xf32>
    %add3A_42 = arith.addf %dot_general3A_41, %add3A_8 : vector<588x64xf32>
    %swap3A_43 = arith.constant 2 : index
    %swap3A_44 = arith.constant 0 : index
    %swap3A_45 = arith.constant 0 : index
    %swap3A_46 = vector.load %arg5[%swap3A_43, %swap3A_44, %swap3A_45] : memref<16x588x64xf32, #tpu.memory_space<vmem>>, vector<1x588x64xf32>
    %swap3A_47 = vector.shape_cast %swap3A_46 : vector<1x588x64xf32> to vector<588x64xf32>
    %swap3A_48 = vector.shape_cast %add3A_42 : vector<588x64xf32> to vector<1x588x64xf32>
    tpu.vector_store %arg5[%swap3A_43, %swap3A_44, %swap3A_45], %swap3A_48 {strides = array<i32>} : memref<16x588x64xf32, #tpu.memory_space<vmem>>, vector<1x588x64xf32>,
    %get3A_49 = arith.constant 3 : index
    %get3A_50 = arith.constant 0 : index
    %get3A_51 = arith.constant 0 : index
    %get3A_52 = vector.load %arg1[%get3A_49, %get3A_50, %get3A_51] : memref<16x588x16xf32, #tpu.memory_space<vmem>>, vector<1x588x16xf32>
    %get3A_53 = vector.shape_cast %get3A_52 : vector<1x588x16xf32> to vector<588x16xf32>
    %dot_general3A_54 = arith.constant dense<0.000000e+00> : vector<588x64xf32>
    %dot_general3A_55 = tpu.matmul %get3A_53, %get3A_1, %dot_general3A_54 {dimension_numbers = #tpu.dot_dimension_numbers<[1], [0], [0], [1], [0, 0, 1, 1], [], []>, transpose_lhs_hint = false} : vector<588x16xf32>, vector<16x64xf32>, vector<588x64xf32> -> vector<588x64xf32>
    %add3A_56 = arith.addf %dot_general3A_55, %add3A_8 : vector<588x64xf32>
    %swap3A_57 = arith.constant 3 : index
    %swap3A_58 = arith.constant 0 : index
    %swap3A_59 = arith.constant 0 : index
    %swap3A_60 = vector.load %arg5[%swap3A_57, %swap3A_58, %swap3A_59] : memref<16x588x64xf32, #tpu.memory_space<vmem>>, vector<1x588x64xf32>
    %swap3A_61 = vector.shape_cast %swap3A_60 : vector<1x588x64xf32> to vector<588x64xf32>
    %swap3A_62 = vector.shape_cast %add3A_56 : vector<588x64xf32> to vector<1x588x64xf32>
    tpu.vector_store %arg5[%swap3A_57, %swap3A_58, %swap3A_59], %swap3A_62 {strides = array<i32>} : memref<16x588x64xf32, #tpu.memory_space<vmem>>, vector<1x588x64xf32>,
    %get3A_63 = arith.constant 4 : index
    %get3A_64 = arith.constant 0 : index
    %get3A_65 = arith.constant 0 : index
    %get3A_66 = vector.load %arg1[%get3A_63, %get3A_64, %get3A_65] : memref<16x588x16xf32, #tpu.memory_space<vmem>>, vector<1x588x16xf32>
    %get3A_67 = vector.shape_cast %get3A_66 : vector<1x588x16xf32> to vector<588x16xf32>
    %dot_general3A_68 = arith.constant dense<0.000000e+00> : vector<588x64xf32>
    %dot_general3A_69 = tpu.matmul %get3A_67, %get3A_1, %dot_general3A_68 {dimension_numbers = #tpu.dot_dimension_numbers<[1], [0], [0], [1], [0, 0, 1, 1], [], []>, transpose_lhs_hint = false} : vector<588x16xf32>, vector<16x64xf32>, vector<588x64xf32> -> vector<588x64xf32>
    %add3A_70 = arith.addf %dot_general3A_69, %add3A_8 : vector<588x64xf32>
    %swap3A_71 = arith.constant 4 : index
    %swap3A_72 = arith.constant 0 : index
    %swap3A_73 = arith.constant 0 : index
    %swap3A_74 = vector.load %arg5[%swap3A_71, %swap3A_72, %swap3A_73] : memref<16x588x64xf32, #tpu.memory_space<vmem>>, vector<1x588x64xf32>
    %swap3A_75 = vector.shape_cast %swap3A_74 : vector<1x588x64xf32> to vector<588x64xf32>
    %swap3A_76 = vector.shape_cast %add3A_70 : vector<588x64xf32> to vector<1x588x64xf32>
    tpu.vector_store %arg5[%swap3A_71, %swap3A_72, %swap3A_73], %swap3A_76 {strides = array<i32>} : memref<16x588x64xf32, #tpu.memory_space<vmem>>, vector<1x588x64xf32>,
    %get3A_77 = arith.constant 5 : index
    %get3A_78 = arith.constant 0 : index
    %get3A_79 = arith.constant 0 : index
    %get3A_80 = vector.load %arg1[%get3A_77, %get3A_78, %get3A_79] : memref<16x588x16xf32, #tpu.memory_space<vmem>>, vector<1x588x16xf32>
    %get3A_81 = vector.shape_cast %get3A_80 : vector<1x588x16xf32> to vector<588x16xf32>
    %dot_general3A_82 = arith.constant dense<0.000000e+00> : vector<588x64xf32>
    %dot_general3A_83 = tpu.matmul %get3A_81, %get3A_1, %dot_general3A_82 {dimension_numbers = #tpu.dot_dimension_numbers<[1], [0], [0], [1], [0, 0, 1, 1], [], []>, transpose_lhs_hint = false} : vector<588x16xf32>, vector<16x64xf32>, vector<588x64xf32> -> vector<588x64xf32>
    %add3A_84 = arith.addf %dot_general3A_83, %add3A_8 : vector<588x64xf32>
    %swap3A_85 = arith.constant 5 : index
    %swap3A_86 = arith.constant 0 : index
    %swap3A_87 = arith.constant 0 : index
    %swap3A_88 = vector.load %arg5[%swap3A_85, %swap3A_86, %swap3A_87] : memref<16x588x64xf32, #tpu.memory_space<vmem>>, vector<1x588x64xf32>
    %swap3A_89 = vector.shape_cast %swap3A_88 : vector<1x588x64xf32> to vector<588x64xf32>
    %swap3A_90 = vector.shape_cast %add3A_84 : vector<588x64xf32> to vector<1x588x64xf32>
    tpu.vector_store %arg5[%swap3A_85, %swap3A_86, %swap3A_87], %swap3A_90 {strides = array<i32>} : memref<16x588x64xf32, #tpu.memory_space<vmem>>, vector<1x588x64xf32>,
    %get3A_91 = arith.constant 6 : index
    %get3A_92 = arith.constant 0 : index
    %get3A_93 = arith.constant 0 : index
    %get3A_94 = vector.load %arg1[%get3A_91, %get3A_92, %get3A_93] : memref<16x588x16xf32, #tpu.memory_space<vmem>>, vector<1x588x16xf32>
    %get3A_95 = vector.shape_cast %get3A_94 : vector<1x588x16xf32> to vector<588x16xf32>
    %dot_general3A_96 = arith.constant dense<0.000000e+00> : vector<588x64xf32>
    %dot_general3A_97 = tpu.matmul %get3A_95, %get3A_1, %dot_general3A_96 {dimension_numbers = #tpu.dot_dimension_numbers<[1], [0], [0], [1], [0, 0, 1, 1], [], []>, transpose_lhs_hint = false} : vector<588x16xf32>, vector<16x64xf32>, vector<588x64xf32> -> vector<588x64xf32>
    %add3A_98 = arith.addf %dot_general3A_97, %add3A_8 : vector<588x64xf32>
    %swap3A_99 = arith.constant 6 : index
    %swap3A_100 = arith.constant 0 : index
    %swap3A_101 = arith.constant 0 : index
    %swap3A_102 = vector.load %arg5[%swap3A_99, %swap3A_100, %swap3A_101] : memref<16x588x64xf32, #tpu.memory_space<vmem>>, vector<1x588x64xf32>
    %swap3A_103 = vector.shape_cast %swap3A_102 : vector<1x588x64xf32> to vector<588x64xf32>
    %swap3A_104 = vector.shape_cast %add3A_98 : vector<588x64xf32> to vector<1x588x64xf32>
    tpu.vector_store %arg5[%swap3A_99, %swap3A_100, %swap3A_101], %swap3A_104 {strides = array<i32>} : memref<16x588x64xf32, #tpu.memory_space<vmem>>, vector<1x588x64xf32>,
    %get3A_105 = arith.constant 7 : index
    %get3A_106 = arith.constant 0 : index
    %get3A_107 = arith.constant 0 : index
    %get3A_108 = vector.load %arg1[%get3A_105, %get3A_106, %get3A_107] : memref<16x588x16xf32, #tpu.memory_space<vmem>>, vector<1x588x16xf32>
    %get3A_109 = vector.shape_cast %get3A_108 : vector<1x588x16xf32> to vector<588x16xf32>
    %dot_general3A_110 = arith.constant dense<0.000000e+00> : vector<588x64xf32>
    %dot_general3A_111 = tpu.matmul %get3A_109, %get3A_1, %dot_general3A_110 {dimension_numbers = #tpu.dot_dimension_numbers<[1], [0], [0], [1], [0, 0, 1, 1], [], []>, transpose_lhs_hint = false} : vector<588x16xf32>, vector<16x64xf32>, vector<588x64xf32> -> vector<588x64xf32>
    %add3A_112 = arith.addf %dot_general3A_111, %add3A_8 : vector<588x64xf32>
    %swap3A_113 = arith.constant 7 : index
    %swap3A_114 = arith.constant 0 : index
    %swap3A_115 = arith.constant 0 : index
    %swap3A_116 = vector.load %arg5[%swap3A_113, %swap3A_114, %swap3A_115] : memref<16x588x64xf32, #tpu.memory_space<vmem>>, vector<1x588x64xf32>
    %swap3A_117 = vector.shape_cast %swap3A_116 : vector<1x588x64xf32> to vector<588x64xf32>
    %swap3A_118 = vector.shape_cast %add3A_112 : vector<588x64xf32> to vector<1x588x64xf32>
    tpu.vector_store %arg5[%swap3A_113, %swap3A_114, %swap3A_115], %swap3A_118 {strides = array<i32>} : memref<16x588x64xf32, #tpu.memory_space<vmem>>, vector<1x588x64xf32>,
    %get3A_119 = arith.constant 8 : index
    %get3A_120 = arith.constant 0 : index
    %get3A_121 = arith.constant 0 : index
    %get3A_122 = vector.load %arg1[%get3A_119, %get3A_120, %get3A_121] : memref<16x588x16xf32, #tpu.memory_space<vmem>>, vector<1x588x16xf32>
    %get3A_123 = vector.shape_cast %get3A_122 : vector<1x588x16xf32> to vector<588x16xf32>
    %dot_general3A_124 = arith.constant dense<0.000000e+00> : vector<588x64xf32>
    %dot_general3A_125 = tpu.matmul %get3A_123, %get3A_1, %dot_general3A_124 {dimension_numbers = #tpu.dot_dimension_numbers<[1], [0], [0], [1], [0, 0, 1, 1], [], []>, transpose_lhs_hint = false} : vector<588x16xf32>, vector<16x64xf32>, vector<588x64xf32> -> vector<588x64xf32>
    %add3A_126 = arith.addf %dot_general3A_125, %add3A_8 : vector<588x64xf32>
    %swap3A_127 = arith.constant 8 : index
    %swap3A_128 = arith.constant 0 : index
    %swap3A_129 = arith.constant 0 : index
    %swap3A_130 = vector.load %arg5[%swap3A_127, %swap3A_128, %swap3A_129] : memref<16x588x64xf32, #tpu.memory_space<vmem>>, vector<1x588x64xf32>
    %swap3A_131 = vector.shape_cast %swap3A_130 : vector<1x588x64xf32> to vector<588x64xf32>
    %swap3A_132 = vector.shape_cast %add3A_126 : vector<588x64xf32> to vector<1x588x64xf32>
    tpu.vector_store %arg5[%swap3A_127, %swap3A_128, %swap3A_129], %swap3A_132 {strides = array<i32>} : memref<16x588x64xf32, #tpu.memory_space<vmem>>, vector<1x588x64xf32>,
    %get3A_133 = arith.constant 9 : index
    %get3A_134 = arith.constant 0 : index
    %get3A_135 = arith.constant 0 : index
    %get3A_136 = vector.load %arg1[%get3A_133, %get3A_134, %get3A_135] : memref<16x588x16xf32, #tpu.memory_space<vmem>>, vector<1x588x16xf32>
    %get3A_137 = vector.shape_cast %get3A_136 : vector<1x588x16xf32> to vector<588x16xf32>
    %dot_general3A_138 = arith.constant dense<0.000000e+00> : vector<588x64xf32>
    %dot_general3A_139 = tpu.matmul %get3A_137, %get3A_1, %dot_general3A_138 {dimension_numbers = #tpu.dot_dimension_numbers<[1], [0], [0], [1], [0, 0, 1, 1], [], []>, transpose_lhs_hint = false} : vector<588x16xf32>, vector<16x64xf32>, vector<588x64xf32> -> vector<588x64xf32>
    %add3A_140 = arith.addf %dot_general3A_139, %add3A_8 : vector<588x64xf32>
    %swap3A_141 = arith.constant 9 : index
    %swap3A_142 = arith.constant 0 : index
    %swap3A_143 = arith.constant 0 : index
    %swap3A_144 = vector.load %arg5[%swap3A_141, %swap3A_142, %swap3A_143] : memref<16x588x64xf32, #tpu.memory_space<vmem>>, vector<1x588x64xf32>
    %swap3A_145 = vector.shape_cast %swap3A_144 : vector<1x588x64xf32> to vector<588x64xf32>
    %swap3A_146 = vector.shape_cast %add3A_140 : vector<588x64xf32> to vector<1x588x64xf32>
    tpu.vector_store %arg5[%swap3A_141, %swap3A_142, %swap3A_143], %swap3A_146 {strides = array<i32>} : memref<16x588x64xf32, #tpu.memory_space<vmem>>, vector<1x588x64xf32>,
    %get3A_147 = arith.constant 10 : index
    %get3A_148 = arith.constant 0 : index
    %get3A_149 = arith.constant 0 : index
    %get3A_150 = vector.load %arg1[%get3A_147, %get3A_148, %get3A_149] : memref<16x588x16xf32, #tpu.memory_space<vmem>>, vector<1x588x16xf32>
    %get3A_151 = vector.shape_cast %get3A_150 : vector<1x588x16xf32> to vector<588x16xf32>
    %dot_general3A_152 = arith.constant dense<0.000000e+00> : vector<588x64xf32>
    %dot_general3A_153 = tpu.matmul %get3A_151, %get3A_1, %dot_general3A_152 {dimension_numbers = #tpu.dot_dimension_numbers<[1], [0], [0], [1], [0, 0, 1, 1], [], []>, transpose_lhs_hint = false} : vector<588x16xf32>, vector<16x64xf32>, vector<588x64xf32> -> vector<588x64xf32>
    %add3A_154 = arith.addf %dot_general3A_153, %add3A_8 : vector<588x64xf32>
    %swap3A_155 = arith.constant 10 : index
    %swap3A_156 = arith.constant 0 : index
    %swap3A_157 = arith.constant 0 : index
    %swap3A_158 = vector.load %arg5[%swap3A_155, %swap3A_156, %swap3A_157] : memref<16x588x64xf32, #tpu.memory_space<vmem>>, vector<1x588x64xf32>
    %swap3A_159 = vector.shape_cast %swap3A_158 : vector<1x588x64xf32> to vector<588x64xf32>
    %swap3A_160 = vector.shape_cast %add3A_154 : vector<588x64xf32> to vector<1x588x64xf32>
    tpu.vector_store %arg5[%swap3A_155, %swap3A_156, %swap3A_157], %swap3A_160 {strides = array<i32>} : memref<16x588x64xf32, #tpu.memory_space<vmem>>, vector<1x588x64xf32>,
    %get3A_161 = arith.constant 11 : index
    %get3A_162 = arith.constant 0 : index
    %get3A_163 = arith.constant 0 : index
    %get3A_164 = vector.load %arg1[%get3A_161, %get3A_162, %get3A_163] : memref<16x588x16xf32, #tpu.memory_space<vmem>>, vector<1x588x16xf32>
    %get3A_165 = vector.shape_cast %get3A_164 : vector<1x588x16xf32> to vector<588x16xf32>
    %dot_general3A_166 = arith.constant dense<0.000000e+00> : vector<588x64xf32>
    %dot_general3A_167 = tpu.matmul %get3A_165, %get3A_1, %dot_general3A_166 {dimension_numbers = #tpu.dot_dimension_numbers<[1], [0], [0], [1], [0, 0, 1, 1], [], []>, transpose_lhs_hint = false} : vector<588x16xf32>, vector<16x64xf32>, vector<588x64xf32> -> vector<588x64xf32>
    %add3A_168 = arith.addf %dot_general3A_167, %add3A_8 : vector<588x64xf32>
    %swap3A_169 = arith.constant 11 : index
    %swap3A_170 = arith.constant 0 : index
    %swap3A_171 = arith.constant 0 : index
    %swap3A_172 = vector.load %arg5[%swap3A_169, %swap3A_170, %swap3A_171] : memref<16x588x64xf32, #tpu.memory_space<vmem>>, vector<1x588x64xf32>
    %swap3A_173 = vector.shape_cast %swap3A_172 : vector<1x588x64xf32> to vector<588x64xf32>
    %swap3A_174 = vector.shape_cast %add3A_168 : vector<588x64xf32> to vector<1x588x64xf32>
    tpu.vector_store %arg5[%swap3A_169, %swap3A_170, %swap3A_171], %swap3A_174 {strides = array<i32>} : memref<16x588x64xf32, #tpu.memory_space<vmem>>, vector<1x588x64xf32>,
    %get3A_175 = arith.constant 12 : index
    %get3A_176 = arith.constant 0 : index
    %get3A_177 = arith.constant 0 : index
    %get3A_178 = vector.load %arg1[%get3A_175, %get3A_176, %get3A_177] : memref<16x588x16xf32, #tpu.memory_space<vmem>>, vector<1x588x16xf32>
    %get3A_179 = vector.shape_cast %get3A_178 : vector<1x588x16xf32> to vector<588x16xf32>
    %dot_general3A_180 = arith.constant dense<0.000000e+00> : vector<588x64xf32>
    %dot_general3A_181 = tpu.matmul %get3A_179, %get3A_1, %dot_general3A_180 {dimension_numbers = #tpu.dot_dimension_numbers<[1], [0], [0], [1], [0, 0, 1, 1], [], []>, transpose_lhs_hint = false} : vector<588x16xf32>, vector<16x64xf32>, vector<588x64xf32> -> vector<588x64xf32>
    %add3A_182 = arith.addf %dot_general3A_181, %add3A_8 : vector<588x64xf32>
    %swap3A_183 = arith.constant 12 : index
    %swap3A_184 = arith.constant 0 : index
    %swap3A_185 = arith.constant 0 : index
    %swap3A_186 = vector.load %arg5[%swap3A_183, %swap3A_184, %swap3A_185] : memref<16x588x64xf32, #tpu.memory_space<vmem>>, vector<1x588x64xf32>
    %swap3A_187 = vector.shape_cast %swap3A_186 : vector<1x588x64xf32> to vector<588x64xf32>
    %swap3A_188 = vector.shape_cast %add3A_182 : vector<588x64xf32> to vector<1x588x64xf32>
    tpu.vector_store %arg5[%swap3A_183, %swap3A_184, %swap3A_185], %swap3A_188 {strides = array<i32>} : memref<16x588x64xf32, #tpu.memory_space<vmem>>, vector<1x588x64xf32>,
    %get3A_189 = arith.constant 13 : index
    %get3A_190 = arith.constant 0 : index
    %get3A_191 = arith.constant 0 : index
    %get3A_192 = vector.load %arg1[%get3A_189, %get3A_190, %get3A_191] : memref<16x588x16xf32, #tpu.memory_space<vmem>>, vector<1x588x16xf32>
    %get3A_193 = vector.shape_cast %get3A_192 : vector<1x588x16xf32> to vector<588x16xf32>
    %dot_general3A_194 = arith.constant dense<0.000000e+00> : vector<588x64xf32>
    %dot_general3A_195 = tpu.matmul %get3A_193, %get3A_1, %dot_general3A_194 {dimension_numbers = #tpu.dot_dimension_numbers<[1], [0], [0], [1], [0, 0, 1, 1], [], []>, transpose_lhs_hint = false} : vector<588x16xf32>, vector<16x64xf32>, vector<588x64xf32> -> vector<588x64xf32>
    %add3A_196 = arith.addf %dot_general3A_195, %add3A_8 : vector<588x64xf32>
    %swap3A_197 = arith.constant 13 : index
    %swap3A_198 = arith.constant 0 : index
    %swap3A_199 = arith.constant 0 : index
    %swap3A_200 = vector.load %arg5[%swap3A_197, %swap3A_198, %swap3A_199] : memref<16x588x64xf32, #tpu.memory_space<vmem>>, vector<1x588x64xf32>
    %swap3A_201 = vector.shape_cast %swap3A_200 : vector<1x588x64xf32> to vector<588x64xf32>
    %swap3A_202 = vector.shape_cast %add3A_196 : vector<588x64xf32> to vector<1x588x64xf32>
    tpu.vector_store %arg5[%swap3A_197, %swap3A_198, %swap3A_199], %swap3A_202 {strides = array<i32>} : memref<16x588x64xf32, #tpu.memory_space<vmem>>, vector<1x588x64xf32>,
    %get3A_203 = arith.constant 14 : index
    %get3A_204 = arith.constant 0 : index
    %get3A_205 = arith.constant 0 : index
    %get3A_206 = vector.load %arg1[%get3A_203, %get3A_204, %get3A_205] : memref<16x588x16xf32, #tpu.memory_space<vmem>>, vector<1x588x16xf32>
    %get3A_207 = vector.shape_cast %get3A_206 : vector<1x588x16xf32> to vector<588x16xf32>
    %dot_general3A_208 = arith.constant dense<0.000000e+00> : vector<588x64xf32>
    %dot_general3A_209 = tpu.matmul %get3A_207, %get3A_1, %dot_general3A_208 {dimension_numbers = #tpu.dot_dimension_numbers<[1], [0], [0], [1], [0, 0, 1, 1], [], []>, transpose_lhs_hint = false} : vector<588x16xf32>, vector<16x64xf32>, vector<588x64xf32> -> vector<588x64xf32>
    %add3A_210 = arith.addf %dot_general3A_209, %add3A_8 : vector<588x64xf32>
    %swap3A_211 = arith.constant 14 : index
    %swap3A_212 = arith.constant 0 : index
    %swap3A_213 = arith.constant 0 : index
    %swap3A_214 = vector.load %arg5[%swap3A_211, %swap3A_212, %swap3A_213] : memref<16x588x64xf32, #tpu.memory_space<vmem>>, vector<1x588x64xf32>
    %swap3A_215 = vector.shape_cast %swap3A_214 : vector<1x588x64xf32> to vector<588x64xf32>
    %swap3A_216 = vector.shape_cast %add3A_210 : vector<588x64xf32> to vector<1x588x64xf32>
    tpu.vector_store %arg5[%swap3A_211, %swap3A_212, %swap3A_213], %swap3A_216 {strides = array<i32>} : memref<16x588x64xf32, #tpu.memory_space<vmem>>, vector<1x588x64xf32>,
    %get3A_217 = arith.constant 15 : index
    %get3A_218 = arith.constant 0 : index
    %get3A_219 = arith.constant 0 : index
    %get3A_220 = vector.load %arg1[%get3A_217, %get3A_218, %get3A_219] : memref<16x588x16xf32, #tpu.memory_space<vmem>>, vector<1x588x16xf32>
    %get3A_221 = vector.shape_cast %get3A_220 : vector<1x588x16xf32> to vector<588x16xf32>
    %dot_general3A_222 = arith.constant dense<0.000000e+00> : vector<588x64xf32>
    %dot_general3A_223 = tpu.matmul %get3A_221, %get3A_1, %dot_general3A_222 {dimension_numbers = #tpu.dot_dimension_numbers<[1], [0], [0], [1], [0, 0, 1, 1], [], []>, transpose_lhs_hint = false} : vector<588x16xf32>, vector<16x64xf32>, vector<588x64xf32> -> vector<588x64xf32>
    %add3A_224 = arith.addf %dot_general3A_223, %add3A_8 : vector<588x64xf32>
    %swap3A_225 = arith.constant 15 : index
    %swap3A_226 = arith.constant 0 : index
    %swap3A_227 = arith.constant 0 : index
    %swap3A_228 = vector.load %arg5[%swap3A_225, %swap3A_226, %swap3A_227] : memref<16x588x64xf32, #tpu.memory_space<vmem>>, vector<1x588x64xf32>
    %swap3A_229 = vector.shape_cast %swap3A_228 : vector<1x588x64xf32> to vector<588x64xf32>
    %swap3A_230 = vector.shape_cast %add3A_224 : vector<588x64xf32> to vector<1x588x64xf32>
    tpu.vector_store %arg5[%swap3A_225, %swap3A_226, %swap3A_227], %swap3A_230 {strides = array<i32>} : memref<16x588x64xf32, #tpu.memory_space<vmem>>, vector<1x588x64xf32>,
    return
  }
  func.func @transform_0(%arg0: i32) -> (i32, i32, i32) {
    %c0_i32 = arith.constant 0 : i32
    %c0_i32_0 = arith.constant 0 : i32
    %c0_i32_1 = arith.constant 0 : i32
    return %arg0, %c0_i32, %c0_i32_0 : i32, i32, i32
  }
  func.func @transform_1(%arg0: i32) -> (i32, i32) {
    %c0_i32 = arith.constant 0 : i32
    %c0_i32_0 = arith.constant 0 : i32
    %c0_i32_1 = arith.constant 0 : i32
    return %c0_i32, %c0_i32_0 : i32, i32
  }
  func.func @transform_2(%arg0: i32) -> (i32, i32) {
    %c0_i32 = arith.constant 0 : i32
    %c0_i32_0 = arith.constant 0 : i32
    %c0_i32_1 = arith.constant 0 : i32
    return %c0_i32, %c0_i32_0 : i32, i32
  }
  func.func @transform_3(%arg0: i32) -> (i32, i32) {
    %c0_i32 = arith.constant 0 : i32
    %c0_i32_0 = arith.constant 0 : i32
    %c0_i32_1 = arith.constant 0 : i32
    return %c0_i32, %c0_i32_0 : i32, i32
  }
  func.func @transform_4(%arg0: i32) -> (i32, i32, i32) {
    %c0_i32 = arith.constant 0 : i32
    %c0_i32_0 = arith.constant 0 : i32
    %c0_i32_1 = arith.constant 0 : i32
    return %arg0, %c0_i32, %c0_i32_0 : i32, i32, i32
  }
}

</mosaic_0001>

<sc_bundles>
// kernel: kernel.4.cloned.1.call-start
scs
__scs_entry_jumppad:
0x0: {  	(pc) =	sbr.rel $0x88, $3  }
0x1: {  	(tag) =	ssettag $0x0;
	lr =	simm.s32 $0x1  }
0x2: {  	[smem:$0x3F9C] =	sst lr;
	_ =	strace $0xD0000000  }
0x3: {  	_ = 	snop  }
0x4: {  	_ = 	snop  }
0x5: {  	_ = 	snop  }
0x6: {  	_ = 	snop  }
0x7: {  	_ = 	snop  }
__scs_overlays_trampoline_lowered:
0x8: {  	[smem:$0x3FAB] =	sst s0  }
0x9: {  	[smem:$0x3FAC] =	sst s1  }
0xa: {  	[smem:$0x3FAD] =	sst s2  }
0xb: {  	[smem:$0x3FAE] =	sst s3  }
0xc: {  	[smem:$0x3FAF] =	sst s4  }
0xd: {  	[smem:$0x3FB0] =	sst s5  }
0xe: {  	[smem:$0x3FB1] =	sst s6  }
0xf: {  	[smem:$0x3FB2] =	sst s7  }
0x10: {  	[smem:$0x3FB3] =	sst s8  }
0x11: {  	[smem:$0x3FB4] =	sst s9;
	s0 =	simm.s32 @!p0 $0x0  }
0x12: {  	s1 =	sld [smem:$0x3F9A];
	s0 =	simm.s32 @p0 $0x1  }
0x13: {  	[smem:$0x3FB5] =	sst s0;
	s0 =	simm.s32 @!p1 $0x0  }
0x14: {  	s2 =	sld [smem:$0x3F99];
	s0 =	simm.s32 @p1 $0x1  }
0x15: {  	[smem:$0x3FB6] =	sst s0;
	s0 =	simm.s32 @!p2 $0x0  }
0x16: {  	s3 =	sld [smem:$0x3FDB];
	s0 =	simm.s32 @p2 $0x1  }
0x17: {  	s4 =	simm.s32 $0x1BF5;
	[smem:$0x3FB8] =	sst s0  }
0x18: {  	s0 =	sld [smem:$0x3F9B];
	_ =	swait.ge [sflag:s4], $0x0  }
0x19: {  	s7 =	sld [smem:$0x3F9C]  }
0x1a: {  	s8 =	sadd.s32 $0xFFFFE003, lr  }
0x1b: {  	s9 =	sadd.s32 $0xFFFFFEF7, lr;
	s5 =	simm.s32 $0xFFFFFFFF;
	p2 =	slt.u32 s8, $0xFFFFF086  }
0x1c: {  	p1 =	slt.u32 s9, $0xF7A;
	s5 =	simm.s32 @!p2 $0x0  }
0x1d: {  	s5 =	simm.s32 @p1 $0x1;
	p0 =	seq.s32 s7, s2  }
0x1e: {  	s7 =	smul.u32 @!p0 $0xF7A, s2;
	p2 =	seq.s32 @!p0 s5, $0x0  }
0x1f: {  	s9 =	smul.u32 $0xF7A, s1;
	s8 =	simm.s32 @!p0 $0x1BF5;
	p2 =	por !p2, p0  }
0x20: {  	[sflag:s8] =	ssyncset.s32 @!p0 $0xFFFFF086;
	s6 =	sadd.s32 @!p0 s3, s7;
	s7 =	simm.s32 @!p0 $0x108  }
0x21: {  	s3 =	sadd.s32 s3, s9;
	s6 =	sadd.s32 @!p0 $0x88, s6;
	s7 =	simm.s32 @p2 $0x1082  }
0x22: {  	[simem:s7], [sflag:s8] =	dma.local @!p0 [hbm:s6], $0xF7A  }
0x23: {  	s9 =	sor.u32 $0xD0000000, s2;
	s6 =	simm.s32 $0x108;
	_ =	swait.ge @!p0 [sflag:s8], $0x0  }
0x24: {  	s3 =	sadd.s32 $0x88, s3;
	s6 =	simm.s32 @!p1 $0x1082;
	[sflag:s4] =	ssyncset.s32 $0xFFFFF086  }
0x25: {  	[simem:s6], [sflag:s4] =	dma.local [hbm:s3], $0xF7A  }
0x26: {  	[smem:$0x3F9C] =	sst s1;
	(tag) =	ssettag s2;
	_ =	strace s9  }
0x27: {  	s1 =	sld [smem:$0x3FAC]  }
0x28: {  	s2 =	sld [smem:$0x3FAD]  }
0x29: {  	s4 =	sld [smem:$0x3FAF]  }
0x2a: {  	p0 =	seq.s32 s5, $0x0;
	s5 =	sld [smem:$0x3FB0]  }
0x2b: {  	s6 =	sld [smem:$0x3FB1]  }
0x2c: {  	s7 =	sld [smem:$0x3FB2]  }
0x2d: {  	s3 =	simm.s32 $0x108;
	s8 =	sld [smem:$0x3FB3]  }
0x2e: {  	s3 =	simm.s32 @!p0 $0x1082;
	s9 =	sld [smem:$0x3FB4]  }
0x2f: {  	lr =	sadd.s32 s0, s3;
	s0 =	sld [smem:$0x3FAB]  }
0x30: {  	s3 =	sld [smem:$0x3FAE]  }
0x31: {  	[smem:$0x3FB7] =	sst s10  }
0x32: {  	s10 =	sld [smem:$0x3FB5];
	_ =	sdelay $0x3  }
0x33: {  	p0 =	seq.s32 s10, $0x1;
	s10 =	sld [smem:$0x3FB7];
	_ =	sdelay $0x3  }
0x34: {  	[smem:$0x3FB7] =	sst s10  }
0x35: {  	s10 =	sld [smem:$0x3FB6];
	_ =	sdelay $0x3  }
0x36: {  	p1 =	seq.s32 s10, $0x1;
	s10 =	sld [smem:$0x3FB7];
	_ =	sdelay $0x3  }
0x37: {  	[smem:$0x3FB7] =	sst s10  }
0x38: {  	s10 =	sld [smem:$0x3FB8]  }
0x39: {  	_ = 	snop;
	(pc) =	sbr.ind lr, $3  }
0x3a: {  	_ = 	snop  }
0x3b: {  	_ = 	snop  }
0x3c: {  	p2 =	seq.s32 s10, $0x1;
	s10 =	sld [smem:$0x3FB7]  }
0x3d: {  	_ =	shalt  }
0x3e: {  	_ =	shalt  }
0x3f: {  	_ =	shalt  }
0x40: {  	_ =	shalt  }
0x41: {  	_ =	shalt  }
0x42: {  	_ =	shalt  }
0x43: {  	_ =	shalt  }
0x44: {  	_ =	shalt  }
0x45: {  	_ =	shalt  }
0x46: {  	_ =	shalt  }
0x47: {  	_ =	shalt  }
0x48: {  	_ =	shalt  }
0x49: {  	_ =	shalt  }
0x4a: {  	_ =	shalt  }
0x4b: {  	_ =	shalt  }
0x4c: {  	_ =	shalt  }
0x4d: {  	_ =	shalt  }
0x4e: {  	_ =	shalt  }
0x4f: {  	_ =	shalt  }
0x50: {  	_ =	shalt  }
0x51: {  	_ =	shalt  }
0x52: {  	_ =	shalt  }
0x53: {  	_ =	shalt  }
0x54: {  	_ =	shalt  }
0x55: {  	_ =	shalt  }
0x56: {  	_ =	shalt  }
0x57: {  	_ =	shalt  }
0x58: {  	_ =	shalt  }
0x59: {  	_ =	shalt  }
0x5a: {  	_ =	shalt  }
0x5b: {  	_ =	shalt  }
0x5c: {  	_ =	shalt  }
0x5d: {  	_ =	shalt  }
0x5e: {  	_ =	shalt  }
0x5f: {  	_ =	shalt  }
0x60: {  	_ =	shalt  }
0x61: {  	_ =	shalt  }
0x62: {  	_ =	shalt  }
0x63: {  	_ =	shalt  }
0x64: {  	_ =	shalt  }
0x65: {  	_ =	shalt  }
0x66: {  	_ =	shalt  }
0x67: {  	_ =	shalt  }
0x68: {  	_ =	shalt  }
0x69: {  	_ =	shalt  }
0x6a: {  	_ =	shalt  }
0x6b: {  	_ =	shalt  }
0x6c: {  	_ =	shalt  }
0x6d: {  	_ =	shalt  }
0x6e: {  	_ =	shalt  }
0x6f: {  	_ =	shalt  }
0x70: {  	_ =	shalt  }
0x71: {  	_ =	shalt  }
0x72: {  	_ =	shalt  }
0x73: {  	_ =	shalt  }
0x74: {  	_ =	shalt  }
0x75: {  	_ =	shalt  }
0x76: {  	_ =	shalt  }
0x77: {  	_ =	shalt  }
0x78: {  	_ =	shalt  }
0x79: {  	_ =	shalt  }
0x7a: {  	_ =	shalt  }
0x7b: {  	_ =	shalt  }
0x7c: {  	_ =	shalt  }
0x7d: {  	_ =	shalt  }
0x7e: {  	_ =	shalt  }
0x7f: {  	_ =	shalt  }
0x80: {  	_ =	shalt  }
0x81: {  	_ =	shalt  }
0x82: {  	_ =	shalt  }
0x83: {  	_ =	shalt  }
0x84: {  	_ =	shalt  }
0x85: {  	_ =	shalt  }
0x86: {  	_ =	shalt  }
0x87: {  	_ =	shalt  }
.Lfunc_end0:
.L_simem_size_0:
called_computation_lowered:
.L_overlay_start_0:
0x88: {  	s2 =	sld [smem:$0x3FD9]  }
0x89: {  	s3 =	sld [smem:$0x3FFE];
	_ =	sdelay $0x1  }
0x8a: {  	s1 =	srdreg.scid  }
0x8b: {  	s0 =	sand.u32 $0x1, s1  }
0x8c: {  	s17 =	sshll.u32 s0, $0xA;
	s2 =	sadd.s32 s3, s2  }
0x8d: {  	s2 =	sadd.s32 s2, s17  }
0x8e: {  	[smem:$0x3FC3] =	sst s2  }
0x8f: {  	_ = 	snop  }
0x90: {  	s2 =	sld [smem:$0x3FD0];
	(tm) =	ssettm $0x1  }
0x91: {  	s18 =	sld [smem:$0x3FFB];
	_ =	sdelay $0x3  }
0x92: {  	_ =	strace s18  }
0x93: {  	s3 =	sld [smem:$0x3FFC];
	_ =	sdelay $0x3  }
0x94: {  	_ =	strace s3  }
0x95: {  	s3 =	sld [smem:$0x3FFD];
	_ =	sdelay $0x3  }
0x96: {  	_ =	strace s3  }
0x97: {  	_ =	strace $0x8FFFFFFF  }
0x98: {  	s19 =	sld [smem:$0x3FDB];
	_ =	sdelay $0x1  }
0x99: {  	s4 =	simm.s32 $_scs_section_size  }
0x9a: {  	s5 =	simm.s32 $_size__tile_overlayer_lowered;
	s6 =	simm.s32 $_tile_overlayer_lowered  }
0x9b: {  	s22 =	simm.s32 $0x1BFF;
	s21 =	sshll.u32 s6, $0x1;
	s3 =	sadd.s32 s4, s19  }
0x9c: {  	s7 =	simm.s32 $0x0;
	s20 =	sshll.u32 s5, $0x1;
	s5 =	sadd.s32 s21, s3  }
0x9d: {  	[timem:s7], [sflag:s22] =	dma.local [hbm:s5], s20  }
0x9e: {  	_ =	swait.ge [sflag:s22], s20  }
0x9f: {  	s4 =	ssub.s32 $0x0, s20;
	[sflag:s22] =	ssyncset.done $0x0  }
0xa0: {  	[sflag:s22] =	ssyncadd.s32 s4;
	_ =	sdelay $0x1  }
0xa1: {  	s23 =	simm.s32 $0x1B8B  }
0xa2: {  	_ =	swait.ge [sflag:s23], $0x1  }
0xa3: {  	[sflag:s23] =	ssyncset.done $0x0  }
0xa4: {  	s25 =	simm.s32 $0x1B8E;
	s24 =	sld [smem:$0x3FFE];
	[sflag:s23] =	ssyncadd.s32 $0xFFFFFFFF  }
0xa5: {  	s26 =	simm.s32 $execute0_lowered;
	[smem:$0x3FD2] =	sst s25  }
0xa6: {  	s5 =	sshll.u32 s26, $0x1;
	_ =	strace $0x80000046;
	[dreg:$0x1] =	wrdreg $0xFFFFFFFF  }
0xa7: {  	s28 =	simm.s32 $_size_execute0_lowered;
	s3 =	sadd.s32 s3, s5;
	[dreg:$0x0] =	wrdreg $0x0  }
0xa8: {  	s5 =	sshll.u32 s28, $0x1;
	[dreg:$0x2] =	wrdreg s3  }
0xa9: {  	[dreg:$0x3] =	wrdreg s5  }
0xaa: {  	[dreg:$0x4] =	wrdreg $0xC0  }
0xab: {  	_ =	task [dreg:s7], $0x5FFFF  }
0xac: {  	[dreg:$0x1] =	wrdreg $0xFFFFFFFF  }
0xad: {  	[dreg:$0x0] =	wrdreg $0x60  }
0xae: {  	[dreg:$0x2] =	wrdreg s24  }
0xaf: {  	[dreg:$0x3] =	wrdreg s2  }
0xb0: {  	[dreg:$0x4] =	wrdreg $0x9  }
0xb1: {  	_ =	task.clear_ibuf [dreg:s7], $0x5FFFF;
	_ =	strace $0x90000046  }
0xb2: {  	s29 =	simm.s32 $0x9;
	_ =	strace $0x80000048  }
0xb3: {  	_ =	swait.ge [sflag:s29], $0x1  }
0xb4: {  	[sflag:s29] =	ssyncadd.s32 $0xFFFFFFFF  }
0xb5: {  	_ =	strace $0x90000048  }
0xb6: {  	_ =	sfence  }
0xb7: {  	s30 =	sld [smem:$0x0];
	_ =	sdelay $0x2  }
0xb8: {  	s31 =	sshll.u32 s1, $0xD;
	s1 =	sshrl.u32 s1, $0x2  }
0xb9: {  	s3 =	sand.u32 $0x4000, s31;
	s1 =	sadd.s32 s1, s30  }
0xba: {  	s0 =	sor.u32 s3, s0;
	s1 =	sshll.u32 s1, $0x11  }
0xbb: {  	s0 =	sor.u32 s1, s0  }
0xbc: {  	s0 =	sadd.s32 $0x8F2B, s0  }
0xbd: {  	[sflag:s0] =	ssyncadd.remote.s32 $0x1  }
0xbe: {  	_ =	sfence.sel $0xFFFF  }
0xbf: {  	[dreg:$0x0] =	wrdreg $0xFFFFFFFF;
	(pc) =	sbr.abs _section_cstart, $3  }
0xc0: {  	[dreg:$0x1] =	wrdreg $0xFFFFFFFF  }
0xc1: {  	_ =	task.clear_ibuf [dreg:s7], $0x2FFFF;
	_ =	strace $0x9FFFFFFF  }
0xc2: {  	(tm) =	ssettm $0x7FFFFFFF  }
0xc3: {  	_ =	shalt  }
tec
execute0_lowered:
.L_overlay_start_1:
0x0: {  	(tag) =	ssettag $0x1  }
0x1: {  	s1 =	srdreg.scid;
	s0 =	stileid.u32  }
0x2: {  	s6 =	sand.u32 $0x1, s1;
	s30 =	sshll.u32 s0, $0x1  }
0x3: {  	s5 =	rddreg [dreg:$0x0];
	s9 =	sor.u32 s6, s30  }
0x4: {  	s10 =	rddreg [dreg:$0x1];
	s2 =	simm.s32 $0x0;
	s3 =	smul.u32 $0x3, s9  }
0x5: {  	s7 =	simm.s32 $0x80;
	[smem:$0x7FF] =	sst s2  }
0x6: {  	s1 =	rddreg [dreg:$0x2];
	_ =	strace $0x80000047;
	s3 =	sadd.s32 s3, s5  }
0x7: {  	s11 =	ssub.s32 $0x2, s6;
	s4 =	sadd.s32 $0xC00, s3;
	s3 =	simm.s32 $0x2  }
0x8: {  	[tilespmem:s2], [sflag:$0x2] =	stream.linear.gather [hbm4b:s4+s2], $0x18, $0x38;
	[tilespmem:$0xC80] =	vst v63  }
0x9: {  	s8 =	simm.s32 $0x1;
	s12 =	sshrl.u32 s11, $0x1;
	_ =	swait.ge [sflag:s3], $0x18  }
0xa: {  	s6 =	simm.s32 $0x18;
	s11 =	ssub.s32 s11, s12;
	[sflag:s3] =	ssyncset.done $0x0  }
0xb: {  	s5 =	sadd.s32 $0xA00, s5;
	s31 =	smax.u32 s11, $0x1;
	[sflag:s3] =	ssyncadd.s32 $0xFFFFFFE8  }
0xc: {  	[tilespmem:s7], [sflag:$0x1] =	stream.indirect.gather [hbm4b:s5+s6], $0x80, s2, s6, $0xb8;
	[tilespmem:$0xC80] =	vst v63  }
0xd: {  	s9 =	smul.u32 $0x180, s9;
	p0 =	sne.s32 s31, $0x1;
	_ =	swait.ge [sflag:s8], $0xC00  }
.Ltmp0:
0xe: {  	[sflag:s8] =	ssyncset.done $0x0;
	(pc) =	sbr.rel @!p0 .LBB2_2-.Ltmp0, $4  }
0xf: {  	s9 =	sadd.s32 s10, s9;
	[sflag:s8] =	ssyncadd.s32 $0xFFFFF400  }
0x10: {  	[hbm4b:s9+s2] =	stream.linear.scatter [tilespmem:s7], [sflag:$0x2], $0xC00, $0x38;
	[tilespmem:$0xC80] =	vst v63  }
0x11: {  	_ =	swait.ge [sflag:s3], $0xC00  }
0x12: {  	s10 =	sadd.s32 $0xFFFFFFFF, s31;
	[sflag:s3] =	ssyncset.done $0x0  }
.LBB2_1:
0x13: {  	p0 =	sne.s32 s10, $0x1;
	s10 =	sadd.s32 $0xFFFFFFFF, s10;
	[sflag:s3] =	ssyncadd.s32 $0xFFFFF400  }
0x14: {  	[tilespmem:s2], [sflag:$0x2] =	stream.linear.gather [hbm4b:s4+s2], $0x18, $0x38;
	[tilespmem:$0xC80] =	vst v63  }
0x15: {  	_ =	swait.ge [sflag:s3], $0x18  }
0x16: {  	[sflag:s3] =	ssyncset.done $0x0  }
0x17: {  	[sflag:s3] =	ssyncadd.s32 $0xFFFFFFE8  }
0x18: {  	[tilespmem:s7], [sflag:$0x1] =	stream.indirect.gather [hbm4b:s5+s6], $0x80, s2, s6, $0xb8;
	[tilespmem:$0xC80] =	vst v63  }
0x19: {  	_ =	swait.ge [sflag:s8], $0xC00  }
.Ltmp1:
0x1a: {  	[sflag:s8] =	ssyncset.done $0x0;
	(pc) =	sbr.rel @p0 .LBB2_1-.Ltmp1, $4  }
0x1b: {  	[sflag:s8] =	ssyncadd.s32 $0xFFFFF400  }
0x1c: {  	[hbm4b:s9+s2] =	stream.linear.scatter [tilespmem:s7], [sflag:$0x2], $0xC00, $0x38;
	[tilespmem:$0xC80] =	vst v63  }
0x1d: {  	_ =	swait.ge [sflag:s3], $0xC00  }
0x1e: {  	[sflag:s3] =	ssyncset.done $0x0  }
.LBB2_2:
0x1f: {  	[sflag:s3] =	ssyncadd.s32 $0xFFFFF400  }
0x20: {  	_ =	sfence.sel $0x180000  }
0x21: {  	[bflag:$0x0] =	sbarrier.arrive $0xFFFF  }
0x22: {  	p0 =	sne.s32 s0, $0x0;
	_ =	strace $0x90000047  }
0x23: {  	s0 =	sadd.s32 @!p0 $0x100000, s1;
	[bflag:$0x2] =	sbarrier.arrive $0xFFFF  }
0x24: {  	[sflag:s0] =	ssyncadd.tile.s32 @!p0 $0x1;
	_ =	shalt  }
.Lfunc_end2:
_tile_overlayer_lowered:
.L_overlay_start_2:
0x25: {  	(tag) =	ssettag $0x2  }
0x26: {  	s0 =	rddreg [dreg:$0x0];
	s2 =	stileid.u32  }
0x27: {  	s1 =	rddreg [dreg:$0x1];
	p0 =	sne.s32 s2, $0x0  }
0x28: {  	s3 =	rddreg [dreg:$0x2];
	[bflag:$0x3] =	sbarrier.arrive $0xFFFF;
	s2 =	simm.s32 @!p0 $0x1C02  }
0x29: {  	[timem:s3], [sflag:s2] =	dma.local @!p0 [hbm:s0], s1  }
0x2a: {  	s0 =	simm.s32 @!p0 $0x2  }
0x2b: {  	_ =	swait.ge @!p0 [sflag:s0], s1  }
0x2c: {  	s1 =	ssub.s32 @!p0 $0x0, s1;
	[sflag:s0] =	ssyncset.done @!p0 $0x0  }
0x2d: {  	[sflag:s0] =	ssyncadd.s32 @!p0 s1  }
0x2e: {  	[bflag:$0x3] =	sbarrier.arrive $0xFFFF  }
0x2f: {  	_ =	shalt  }

</sc_bundles>
